<compile_context>
chip_gen: v7x
topology: tpu7x:2x2x1
jax: 0.10.2.dev20260603
libtpu: 0.0.44.dev20260713+nightly
codegen_flags: <defaults>
</compile_context>

<pallas_src>
import jax
import jax.numpy as jnp
from jax import lax
from jax.experimental import pallas as pl
from jax.experimental.pallas import tpu as pltpu
from jax.experimental.pallas import tpu_sc as plsc

_BM = 1024

_NC = 2
_NS = 16
_NW = _NC * _NS


def _gate_body(x_ref, w1_ref, b1_ref, w2t_ref, b2_ref, probs_ref):
    h = jnp.dot(x_ref[...], w1_ref[...], preferred_element_type=jnp.float32)
    h = h + b1_ref[...]
    h = h * jax.nn.sigmoid(h)
    logits = lax.dot_general(
        h, w2t_ref[...], (((1,), (1,)), ((), ())),
        preferred_element_type=jnp.float32)
    probs_ref[...] = logits + b2_ref[...]


def _topk_body(probs_hbm, sparse_t_hbm, idx_t_hbm, probs_v, sparse_t_v, idx_t_v):
    tpw = probs_v.shape[0]
    wid = lax.axis_index("s") * _NC + lax.axis_index("c")
    base = wid * tpw
    pltpu.sync_copy(probs_hbm.at[pl.ds(base, tpw)], probs_v)
    lanes = lax.iota(jnp.int32, 16)
    top2 = lanes < 2
    zeros16 = jnp.zeros((16,), jnp.float32)

    @plsc.parallel_loop(0, tpw, unroll=4)
    def _body(t):
        l = probs_v[t]
        e = jnp.exp(l - jnp.max(l))
        p = e / jnp.sum(e)
        sk, sv = plsc.sort_key_val(p, lanes, descending=True)
        col = lanes * 0 + t
        plsc.store_scatter(sparse_t_v, [lanes, col], zeros16)
        plsc.store_scatter(sparse_t_v, [sv, col], sk, mask=top2)
        plsc.store_scatter(idx_t_v, [lanes, col], sv, mask=top2)

    pltpu.sync_copy(sparse_t_v, sparse_t_hbm.at[:, pl.ds(base, tpw)])
    pltpu.sync_copy(idx_t_v, idx_t_hbm.at[:, pl.ds(base, tpw)])


@jax.jit
def kernel(x, W1, b1, W2, b2):
    n_tokens, hidden = x.shape
    n_mod = W2.shape[1]
    n_hid = W1.shape[1]
    probs = pl.pallas_call(
        _gate_body,
        grid=(n_tokens // _BM,),
        in_specs=[
            pl.BlockSpec((_BM, hidden), lambda i: (i, 0)),
            pl.BlockSpec((hidden, n_hid), lambda i: (0, 0)),
            pl.BlockSpec((n_hid,), lambda i: (0,)),
            pl.BlockSpec((n_mod, n_hid), lambda i: (0, 0)),
            pl.BlockSpec((n_mod,), lambda i: (0,)),
        ],
        out_specs=pl.BlockSpec((_BM, n_mod), lambda i: (i, 0)),
        out_shape=jax.ShapeDtypeStruct((n_tokens, n_mod), jnp.float32),
    )(x, W1, b1, W2.T, b2)

    tpw = n_tokens // _NW
    sparse_t, idx_t = pl.kernel(
        _topk_body,
        out_type=[
            jax.ShapeDtypeStruct((n_mod, n_tokens), jnp.float32),
            jax.ShapeDtypeStruct((2, n_tokens), jnp.int32),
        ],
        mesh=plsc.VectorSubcoreMesh(
            core_axis_name="c", subcore_axis_name="s",
            num_cores=_NC, num_subcores=_NS,
        ),
        compiler_params=pltpu.CompilerParams(needs_layout_passes=False),
        scratch_types=[
            pltpu.VMEM((tpw, n_mod), jnp.float32),
            pltpu.VMEM((n_mod, tpw), jnp.float32),
            pltpu.VMEM((2, tpw), jnp.int32),
        ],
    )(probs)
    return (sparse_t.T, idx_t.T)

# --- scband reference (transcript-rebuilt; emitter-appended) ---
"""Pipeline reference for scband-mpadrouter-49752901157065 (READ-ONLY COPY).

The authoritative reference and input builder live on the scoring server;
editing this copy changes nothing except your own understanding.
"""

import jax, jax.numpy as jnp
import numpy as np

N_TOKENS = 8192
HIDDEN = 2048
N_MOD = 16
TOP_K = 2


def setup_inputs(seed: int = 0) -> dict:
    key = jax.random.key(seed)
    k0, k1, k2 = jax.random.split(key, 3)
    x = jax.random.normal(k0, (N_TOKENS, HIDDEN), dtype=jnp.float32)
    # gate: Linear(hidden, hidden//2) -> SiLU -> Linear(hidden//2, n_modalities)
    W1 = jax.random.normal(k1, (HIDDEN, HIDDEN // 2), dtype=jnp.float32) * (1.0 / np.sqrt(HIDDEN))
    b1 = jnp.zeros((HIDDEN // 2,), dtype=jnp.float32)
    W2 = jax.random.normal(k2, (HIDDEN // 2, N_MOD), dtype=jnp.float32) * (1.0 / np.sqrt(HIDDEN // 2))
    b2 = jnp.zeros((N_MOD,), dtype=jnp.float32)
    return {"x": x, "W1": W1, "b1": b1, "W2": W2, "b2": b2}


def reference(x, W1, b1, W2, b2):
    # gate MLP
    h = x @ W1 + b1
    h = h * jax.nn.sigmoid(h)  # SiLU
    logits = h @ W2 + b2
    probs = jax.nn.softmax(logits, axis=-1)
    # top-k over modalities
    top_k_vals, top_k_idx = jax.lax.top_k(probs, TOP_K)
    # inference path (training=False): scatter top-k vals into zeros
    rows = jnp.arange(probs.shape[0])[:, None]
    sparse = jnp.zeros_like(probs).at[rows, top_k_idx].set(top_k_vals)
    return (sparse, top_k_idx)

if __name__ == "__main__":
    import jax
    _d = setup_inputs()
    print(jax.jit(kernel)(*tuple(_d.values())))

</pallas_src>

<mosaic_0001>
#map = affine_map<(d0, d1) -> (0, 0)>
module attributes {stable_mosaic.version = 14 : i64} {
  func.func @_topk_body(%arg0: i32, %arg1: i32, %arg2: memref<8192x16xf32, #tpu.memory_space<hbm>>, %arg3: memref<16x8192xf32, #tpu.memory_space<hbm>>, %arg4: memref<2x8192xi32, #tpu.memory_space<hbm>>, %arg5: memref<256x16xf32, #tpu.memory_space<vmem>>, %arg6: memref<16x256xf32, #tpu.memory_space<vmem>>, %arg7: memref<2x256xi32, #tpu.memory_space<vmem>>) attributes {dimension_semantics = [#tpu.dimension_semantics<core_parallel>, #tpu.dimension_semantics<subcore_parallel>], iteration_bounds = array<i64: 2, 16>, scalar_prefetch = 0 : i64, scratch_operands = 3 : i64, tpu.core_type = #tpu.core_type<sc_vector_subcore>, window_params = [{transform_indices = #map}, {transform_indices = #map}, {transform_indices = #map}]} {
    %mul3A = arith.constant 2 : i32
    %mul3A_0 = arith.muli %arg1, %mul3A : i32
    %add3A = arith.addi %mul3A_0, %arg0 : i32
    %mul3A_1 = arith.constant 256 : i32
    %mul3A_2 = arith.muli %add3A, %mul3A_1 : i32
    "tpu.region"() ({
      %run_scoped3A = tpu.sem_alloc : memref<!tpu.dma_semaphore, #tpu.memory_space<semaphore_mem>>
      %dma_start3A = arith.constant 0 : i32
      %dma_start3A_8 = tpu.memref_slice %arg2[%mul3A_2, %dma_start3A] : memref<8192x16xf32, #tpu.memory_space<hbm>> -> memref<256x16xf32, #tpu.memory_space<hbm>>
      %dma_start3A_9 = arith.constant 0 : i32
      %dma_start3A_10 = tpu.memref_slice %arg2[%mul3A_2, %dma_start3A_9] : memref<8192x16xf32, #tpu.memory_space<hbm>> -> memref<256x16xf32, #tpu.memory_space<hbm>>
      tpu.enqueue_dma source(%dma_start3A_10 : memref<256x16xf32, #tpu.memory_space<hbm>>) target(%arg5 : memref<256x16xf32, #tpu.memory_space<vmem>>) target_semaphore(%run_scoped3A : memref<!tpu.dma_semaphore, #tpu.memory_space<semaphore_mem>>)
      %dma_wait3A = arith.constant 0 : i32
      %dma_wait3A_11 = tpu.memref_slice %arg2[%mul3A_2, %dma_wait3A] : memref<8192x16xf32, #tpu.memory_space<hbm>> -> memref<256x16xf32, #tpu.memory_space<hbm>>
      %dma_wait3A_12 = arith.constant 0 : i32
      %dma_wait3A_13 = tpu.memref_slice %arg2[%mul3A_2, %dma_wait3A_12] : memref<8192x16xf32, #tpu.memory_space<hbm>> -> memref<256x16xf32, #tpu.memory_space<hbm>>
      tpu.wait_dma2 semaphore(%run_scoped3A : memref<!tpu.dma_semaphore, #tpu.memory_space<semaphore_mem>>) src(%dma_wait3A_13 : memref<256x16xf32, #tpu.memory_space<hbm>>) dst(%arg5 : memref<256x16xf32, #tpu.memory_space<vmem>>)
      tpu.yield
    }) : () -> ()
    %iota3A = tpu.iota {dimensions = array<i32: 0>} : vector<16xi32>
    %lt3A = arith.constant 2 : i32
    %lt3A_3 = vector.broadcast %lt3A : i32 to vector<16xi32>
    %lt3A_4 = arith.cmpi slt, %iota3A, %lt3A_3 : vector<16xi32>
    %broadcast_in_dim3A = arith.constant 0.000000e+00 : f32
    %broadcast_in_dim3A_5 = vector.broadcast %broadcast_in_dim3A : f32 to vector<16xf32>
    %parallel_loop3A = arith.constant 0 : i32
    %parallel_loop3A_6 = arith.constant 256 : i32
    %parallel_loop3A_7 = arith.constant 1 : i32
    scf.for %parallel_loop3A_8 = %parallel_loop3A to %parallel_loop3A_6 step %parallel_loop3A_7  : i32 {
      %parallel_loop3A_9 = arith.index_cast %parallel_loop3A_8 : i32 to index
      %parallel_loop3A_10 = arith.constant 0 : index
      %parallel_loop3A_11 = tpu.vector_load %arg5[%parallel_loop3A_9, %parallel_loop3A_10] {strides = array<i32>} : memref<256x16xf32, #tpu.memory_space<vmem>>, vector<16xf32>,
      %parallel_loop3A_12 = arith.constant true
      %parallel_loop3A_13 = vector.broadcast %parallel_loop3A_12 : i1 to vector<16xi1>
      %parallel_loop3A_14 = tpu.scan <max>, %parallel_loop3A_11 masked %parallel_loop3A_13 : vector<16xf32>, vector<16xi1> -> vector<16xf32>
      %parallel_loop3A_15 = vector.extract %parallel_loop3A_14[15] : f32 from vector<16xf32>
      %parallel_loop3A_16 = vector.broadcast %parallel_loop3A_15 : f32 to vector<16xf32>
      %parallel_loop3A_17 = arith.subf %parallel_loop3A_11, %parallel_loop3A_16 : vector<16xf32>
      %parallel_loop3A_18 = math.exp %parallel_loop3A_17 : vector<16xf32>
      %parallel_loop3A_19 = arith.constant true
      %parallel_loop3A_20 = vector.broadcast %parallel_loop3A_19 : i1 to vector<16xi1>
      %parallel_loop3A_21 = tpu.scan <sum>, %parallel_loop3A_18 masked %parallel_loop3A_20 : vector<16xf32>, vector<16xi1> -> vector<16xf32>
      %parallel_loop3A_22 = vector.extract %parallel_loop3A_21[15] : f32 from vector<16xf32>
      %parallel_loop3A_23 = vector.broadcast %parallel_loop3A_22 : f32 to vector<16xf32>
      %parallel_loop3A_24 = arith.divf %parallel_loop3A_18, %parallel_loop3A_23 : vector<16xf32>
      %parallel_loop3A_25 = arith.constant dense<true> : vector<16xi1>
      %parallel_loop3A_26, %parallel_loop3A_27, %parallel_loop3A_28 = tpu.sort %parallel_loop3A_24, %iota3A masked %parallel_loop3A_25 {descending = true} : (vector<16xf32>, vector<16xi32>, vector<16xi1>) -> (vector<16xi1>, vector<16xf32>, vector<16xi32>)
      %parallel_loop3A_29 = arith.constant 0 : i32
      %parallel_loop3A_30 = vector.broadcast %parallel_loop3A_29 : i32 to vector<16xi32>
      %parallel_loop3A_31 = arith.muli %iota3A, %parallel_loop3A_30 : vector<16xi32>
      %parallel_loop3A_32 = vector.broadcast %parallel_loop3A_8 : i32 to vector<16xi32>
      %parallel_loop3A_33 = arith.addi %parallel_loop3A_31, %parallel_loop3A_32 : vector<16xi32>
      tpu.vector_store_idx %arg6[%iota3A, %parallel_loop3A_33], %broadcast_in_dim3A_5 : memref<16x256xf32, #tpu.memory_space<vmem>>[vector<16xi32>, vector<16xi32>], vector<16xf32>,
      tpu.vector_store_idx %arg6[%parallel_loop3A_28, %parallel_loop3A_33], %parallel_loop3A_27 masked %lt3A_4 : memref<16x256xf32, #tpu.memory_space<vmem>>[vector<16xi32>, vector<16xi32>], vector<16xf32>, vector<16xi1>
      tpu.vector_store_idx %arg7[%iota3A, %parallel_loop3A_33], %parallel_loop3A_28 masked %lt3A_4 : memref<2x256xi32, #tpu.memory_space<vmem>>[vector<16xi32>, vector<16xi32>], vector<16xi32>, vector<16xi1>
    } {sc.loop_unroll_factor = 4 : i64, sc.parallel_access}
    "tpu.region"() ({
      %run_scoped3A = tpu.sem_alloc : memref<!tpu.dma_semaphore, #tpu.memory_space<semaphore_mem>>
      %dma_start3A = arith.constant 0 : i32
      %dma_start3A_8 = tpu.memref_slice %arg3[%dma_start3A, %mul3A_2] : memref<16x8192xf32, #tpu.memory_space<hbm>> -> memref<16x256xf32, #tpu.memory_space<hbm>>
      %dma_start3A_9 = arith.constant 0 : i32
      %dma_start3A_10 = tpu.memref_slice %arg3[%dma_start3A_9, %mul3A_2] : memref<16x8192xf32, #tpu.memory_space<hbm>> -> memref<16x256xf32, #tpu.memory_space<hbm>>
      tpu.enqueue_dma source(%arg6 : memref<16x256xf32, #tpu.memory_space<vmem>>) target(%dma_start3A_10 : memref<16x256xf32, #tpu.memory_space<hbm>>) target_semaphore(%run_scoped3A : memref<!tpu.dma_semaphore, #tpu.memory_space<semaphore_mem>>)
      %dma_wait3A = arith.constant 0 : i32
      %dma_wait3A_11 = tpu.memref_slice %arg3[%dma_wait3A, %mul3A_2] : memref<16x8192xf32, #tpu.memory_space<hbm>> -> memref<16x256xf32, #tpu.memory_space<hbm>>
      %dma_wait3A_12 = arith.constant 0 : i32
      %dma_wait3A_13 = tpu.memref_slice %arg3[%dma_wait3A_12, %mul3A_2] : memref<16x8192xf32, #tpu.memory_space<hbm>> -> memref<16x256xf32, #tpu.memory_space<hbm>>
      tpu.wait_dma2 semaphore(%run_scoped3A : memref<!tpu.dma_semaphore, #tpu.memory_space<semaphore_mem>>) src(%arg6 : memref<16x256xf32, #tpu.memory_space<vmem>>) dst(%dma_wait3A_13 : memref<16x256xf32, #tpu.memory_space<hbm>>)
      tpu.yield
    }) : () -> ()
    "tpu.region"() ({
      %run_scoped3A = tpu.sem_alloc : memref<!tpu.dma_semaphore, #tpu.memory_space<semaphore_mem>>
      %dma_start3A = arith.constant 0 : i32
      %dma_start3A_8 = tpu.memref_slice %arg4[%dma_start3A, %mul3A_2] : memref<2x8192xi32, #tpu.memory_space<hbm>> -> memref<2x256xi32, #tpu.memory_space<hbm>>
      %dma_start3A_9 = arith.constant 0 : i32
      %dma_start3A_10 = tpu.memref_slice %arg4[%dma_start3A_9, %mul3A_2] : memref<2x8192xi32, #tpu.memory_space<hbm>> -> memref<2x256xi32, #tpu.memory_space<hbm>>
      tpu.enqueue_dma source(%arg7 : memref<2x256xi32, #tpu.memory_space<vmem>>) target(%dma_start3A_10 : memref<2x256xi32, #tpu.memory_space<hbm>>) target_semaphore(%run_scoped3A : memref<!tpu.dma_semaphore, #tpu.memory_space<semaphore_mem>>)
      %dma_wait3A = arith.constant 0 : i32
      %dma_wait3A_11 = tpu.memref_slice %arg4[%dma_wait3A, %mul3A_2] : memref<2x8192xi32, #tpu.memory_space<hbm>> -> memref<2x256xi32, #tpu.memory_space<hbm>>
      %dma_wait3A_12 = arith.constant 0 : i32
      %dma_wait3A_13 = tpu.memref_slice %arg4[%dma_wait3A_12, %mul3A_2] : memref<2x8192xi32, #tpu.memory_space<hbm>> -> memref<2x256xi32, #tpu.memory_space<hbm>>
      tpu.wait_dma2 semaphore(%run_scoped3A : memref<!tpu.dma_semaphore, #tpu.memory_space<semaphore_mem>>) src(%arg7 : memref<2x256xi32, #tpu.memory_space<vmem>>) dst(%dma_wait3A_13 : memref<2x256xi32, #tpu.memory_space<hbm>>)
      tpu.yield
    }) : () -> ()
    return
  }
}

module attributes {stable_mosaic.version = 14 : i64} {
  func.func @_gate_body(%arg0: i32, %arg1: memref<1024x2048xf32, #tpu.memory_space<vmem>>, %arg2: memref<2048x1024xf32, #tpu.memory_space<vmem>>, %arg3: memref<1024xf32, #tpu.memory_space<vmem>>, %arg4: memref<16x1024xf32, #tpu.memory_space<vmem>>, %arg5: memref<16xf32, #tpu.memory_space<vmem>>, %arg6: memref<1024x16xf32, #tpu.memory_space<vmem>>) attributes {dimension_semantics = [#tpu.dimension_semantics<arbitrary>], iteration_bounds = array<i64: 8>, scalar_prefetch = 0 : i64, scratch_operands = 0 : i64, tpu.core_type = #tpu.core_type<tc>, window_params = [{transform_indices = @transform_0, window_bounds = array<i64: 1024, 2048>}, {pipeline_mode = #tpu.pipeline_mode<synchronous>, transform_indices = @transform_1, window_bounds = array<i64: 2048, 1024>}, {pipeline_mode = #tpu.pipeline_mode<synchronous>, transform_indices = @transform_2, window_bounds = array<i64: 1024>}, {pipeline_mode = #tpu.pipeline_mode<synchronous>, transform_indices = @transform_3, window_bounds = array<i64: 16, 1024>}, {pipeline_mode = #tpu.pipeline_mode<synchronous>, transform_indices = @transform_4, window_bounds = array<i64: 16>}, {transform_indices = @transform_5, window_bounds = array<i64: 1024, 16>}]} {
    %get3A = arith.constant 0 : index
    %get3A_0 = arith.constant 0 : index
    %get3A_1 = vector.load %arg1[%get3A, %get3A_0] : memref<1024x2048xf32, #tpu.memory_space<vmem>>, vector<1024x2048xf32>
    %get3A_2 = arith.constant 0 : index
    %get3A_3 = arith.constant 0 : index
    %get3A_4 = vector.load %arg2[%get3A_2, %get3A_3] : memref<2048x1024xf32, #tpu.memory_space<vmem>>, vector<2048x1024xf32>
    %dot_general3A = arith.constant dense<0.000000e+00> : vector<1024x1024xf32>
    %dot_general3A_5 = tpu.matmul %get3A_1, %get3A_4, %dot_general3A {dimension_numbers = #tpu.dot_dimension_numbers<[1], [0], [0], [1], [0, 0, 1, 1], [], []>, transpose_lhs_hint = false} : vector<1024x2048xf32>, vector<2048x1024xf32>, vector<1024x1024xf32> -> vector<1024x1024xf32>
    %get3A_6 = arith.constant 0 : index
    %get3A_7 = vector.load %arg3[%get3A_6] : memref<1024xf32, #tpu.memory_space<vmem>>, vector<1024xf32>
    %broadcast_in_dim3A = vector.shape_cast %get3A_7 : vector<1024xf32> to vector<1x1024xf32>
    %add3A = vector.broadcast %broadcast_in_dim3A : vector<1x1024xf32> to vector<1024x1024xf32>
    %add3A_8 = arith.addf %dot_general3A_5, %add3A : vector<1024x1024xf32>
    %logistic3A = arith.negf %add3A_8 : vector<1024x1024xf32>
    %logistic3A_9 = math.exp %logistic3A : vector<1024x1024xf32>
    %logistic3A_10 = arith.constant 1.000000e+00 : f32
    %logistic3A_11 = vector.broadcast %logistic3A_10 : f32 to vector<1024x1024xf32>
    %logistic3A_12 = arith.addf %logistic3A_11, %logistic3A_9 : vector<1024x1024xf32>
    %logistic3A_13 = arith.divf %logistic3A_11, %logistic3A_12 : vector<1024x1024xf32>
    %mul3A = arith.mulf %add3A_8, %logistic3A_13 : vector<1024x1024xf32>
    %get3A_14 = arith.constant 0 : index
    %get3A_15 = arith.constant 0 : index
    %get3A_16 = vector.load %arg4[%get3A_14, %get3A_15] : memref<16x1024xf32, #tpu.memory_space<vmem>>, vector<16x1024xf32>
    %dot_general3A_17 = arith.constant dense<0.000000e+00> : vector<1024x16xf32>
    %dot_general3A_18 = tpu.matmul %mul3A, %get3A_16, %dot_general3A_17 {dimension_numbers = #tpu.dot_dimension_numbers<[1], [1], [0], [0], [0, 0, 1, 0], [], []>, transpose_lhs_hint = false} : vector<1024x1024xf32>, vector<16x1024xf32>, vector<1024x16xf32> -> vector<1024x16xf32>
    %get3A_19 = arith.constant 0 : index
    %get3A_20 = vector.load %arg5[%get3A_19] : memref<16xf32, #tpu.memory_space<vmem>>, vector<16xf32>
    %broadcast_in_dim3A_21 = vector.shape_cast %get3A_20 : vector<16xf32> to vector<1x16xf32>
    %add3A_22 = vector.broadcast %broadcast_in_dim3A_21 : vector<1x16xf32> to vector<1024x16xf32>
    %add3A_23 = arith.addf %dot_general3A_18, %add3A_22 : vector<1024x16xf32>
    %swap3A = arith.constant 0 : index
    %swap3A_24 = arith.constant 0 : index
    %swap3A_25 = vector.load %arg6[%swap3A, %swap3A_24] : memref<1024x16xf32, #tpu.memory_space<vmem>>, vector<1024x16xf32>
    tpu.vector_store %arg6[%swap3A, %swap3A_24], %add3A_23 {strides = array<i32>} : memref<1024x16xf32, #tpu.memory_space<vmem>>, vector<1024x16xf32>,
    return
  }
  func.func @transform_0(%arg0: i32) -> (i32, i32) {
    %c0_i32 = arith.constant 0 : i32
    %c0_i32_0 = arith.constant 0 : i32
    return %arg0, %c0_i32 : i32, i32
  }
  func.func @transform_1(%arg0: i32) -> (i32, i32) {
    %c0_i32 = arith.constant 0 : i32
    %c0_i32_0 = arith.constant 0 : i32
    %c0_i32_1 = arith.constant 0 : i32
    return %c0_i32, %c0_i32_0 : i32, i32
  }
  func.func @transform_2(%arg0: i32) -> i32 {
    %c0_i32 = arith.constant 0 : i32
    %c0_i32_0 = arith.constant 0 : i32
    return %c0_i32 : i32
  }
  func.func @transform_3(%arg0: i32) -> (i32, i32) {
    %c0_i32 = arith.constant 0 : i32
    %c0_i32_0 = arith.constant 0 : i32
    %c0_i32_1 = arith.constant 0 : i32
    return %c0_i32, %c0_i32_0 : i32, i32
  }
  func.func @transform_4(%arg0: i32) -> i32 {
    %c0_i32 = arith.constant 0 : i32
    %c0_i32_0 = arith.constant 0 : i32
    return %c0_i32 : i32
  }
  func.func @transform_5(%arg0: i32) -> (i32, i32) {
    %c0_i32 = arith.constant 0 : i32
    %c0_i32_0 = arith.constant 0 : i32
    return %arg0, %c0_i32 : i32, i32
  }
}

</mosaic_0001>

<sc_bundles>
// kernel: kernel.4.cloned.1.call-start
scs
__scs_entry_jumppad:
0x0: {  	(pc) =	sbr.rel $0x88, $3  }
0x1: {  	(tag) =	ssettag $0x0;
	lr =	simm.s32 $0x1  }
0x2: {  	[smem:$0x3F9C] =	sst lr;
	_ =	strace $0xD0000000  }
0x3: {  	_ = 	snop  }
0x4: {  	_ = 	snop  }
0x5: {  	_ = 	snop  }
0x6: {  	_ = 	snop  }
0x7: {  	_ = 	snop  }
__scs_overlays_trampoline_lowered:
0x8: {  	[smem:$0x3FAB] =	sst s0  }
0x9: {  	[smem:$0x3FAC] =	sst s1  }
0xa: {  	[smem:$0x3FAD] =	sst s2  }
0xb: {  	[smem:$0x3FAE] =	sst s3  }
0xc: {  	[smem:$0x3FAF] =	sst s4  }
0xd: {  	[smem:$0x3FB0] =	sst s5  }
0xe: {  	[smem:$0x3FB1] =	sst s6  }
0xf: {  	[smem:$0x3FB2] =	sst s7  }
0x10: {  	[smem:$0x3FB3] =	sst s8  }
0x11: {  	[smem:$0x3FB4] =	sst s9;
	s0 =	simm.s32 @!p0 $0x0  }
0x12: {  	s1 =	sld [smem:$0x3F9A];
	s0 =	simm.s32 @p0 $0x1  }
0x13: {  	[smem:$0x3FB5] =	sst s0;
	s0 =	simm.s32 @!p1 $0x0  }
0x14: {  	s2 =	sld [smem:$0x3F99];
	s0 =	simm.s32 @p1 $0x1  }
0x15: {  	[smem:$0x3FB6] =	sst s0;
	s0 =	simm.s32 @!p2 $0x0  }
0x16: {  	s3 =	sld [smem:$0x3FDB];
	s0 =	simm.s32 @p2 $0x1  }
0x17: {  	s4 =	simm.s32 $0x1BF5;
	[smem:$0x3FB8] =	sst s0  }
0x18: {  	s0 =	sld [smem:$0x3F9B];
	_ =	swait.ge [sflag:s4], $0x0  }
0x19: {  	s7 =	sld [smem:$0x3F9C]  }
0x1a: {  	s8 =	sadd.s32 $0xFFFFE003, lr  }
0x1b: {  	s9 =	sadd.s32 $0xFFFFFEF7, lr;
	s5 =	simm.s32 $0xFFFFFFFF;
	p2 =	slt.u32 s8, $0xFFFFF086  }
0x1c: {  	p1 =	slt.u32 s9, $0xF7A;
	s5 =	simm.s32 @!p2 $0x0  }
0x1d: {  	s5 =	simm.s32 @p1 $0x1;
	p0 =	seq.s32 s7, s2  }
0x1e: {  	s7 =	smul.u32 @!p0 $0xF7A, s2;
	p2 =	seq.s32 @!p0 s5, $0x0  }
0x1f: {  	s9 =	smul.u32 $0xF7A, s1;
	s8 =	simm.s32 @!p0 $0x1BF5;
	p2 =	por !p2, p0  }
0x20: {  	[sflag:s8] =	ssyncset.s32 @!p0 $0xFFFFF086;
	s6 =	sadd.s32 @!p0 s3, s7;
	s7 =	simm.s32 @!p0 $0x108  }
0x21: {  	s3 =	sadd.s32 s3, s9;
	s6 =	sadd.s32 @!p0 $0x88, s6;
	s7 =	simm.s32 @p2 $0x1082  }
0x22: {  	[simem:s7], [sflag:s8] =	dma.local @!p0 [hbm:s6], $0xF7A  }
0x23: {  	s9 =	sor.u32 $0xD0000000, s2;
	s6 =	simm.s32 $0x108;
	_ =	swait.ge @!p0 [sflag:s8], $0x0  }
0x24: {  	s3 =	sadd.s32 $0x88, s3;
	s6 =	simm.s32 @!p1 $0x1082;
	[sflag:s4] =	ssyncset.s32 $0xFFFFF086  }
0x25: {  	[simem:s6], [sflag:s4] =	dma.local [hbm:s3], $0xF7A  }
0x26: {  	[smem:$0x3F9C] =	sst s1;
	(tag) =	ssettag s2;
	_ =	strace s9  }
0x27: {  	s1 =	sld [smem:$0x3FAC]  }
0x28: {  	s2 =	sld [smem:$0x3FAD]  }
0x29: {  	s4 =	sld [smem:$0x3FAF]  }
0x2a: {  	p0 =	seq.s32 s5, $0x0;
	s5 =	sld [smem:$0x3FB0]  }
0x2b: {  	s6 =	sld [smem:$0x3FB1]  }
0x2c: {  	s7 =	sld [smem:$0x3FB2]  }
0x2d: {  	s3 =	simm.s32 $0x108;
	s8 =	sld [smem:$0x3FB3]  }
0x2e: {  	s3 =	simm.s32 @!p0 $0x1082;
	s9 =	sld [smem:$0x3FB4]  }
0x2f: {  	lr =	sadd.s32 s0, s3;
	s0 =	sld [smem:$0x3FAB]  }
0x30: {  	s3 =	sld [smem:$0x3FAE]  }
0x31: {  	[smem:$0x3FB7] =	sst s10  }
0x32: {  	s10 =	sld [smem:$0x3FB5];
	_ =	sdelay $0x3  }
0x33: {  	p0 =	seq.s32 s10, $0x1;
	s10 =	sld [smem:$0x3FB7];
	_ =	sdelay $0x3  }
0x34: {  	[smem:$0x3FB7] =	sst s10  }
0x35: {  	s10 =	sld [smem:$0x3FB6];
	_ =	sdelay $0x3  }
0x36: {  	p1 =	seq.s32 s10, $0x1;
	s10 =	sld [smem:$0x3FB7];
	_ =	sdelay $0x3  }
0x37: {  	[smem:$0x3FB7] =	sst s10  }
0x38: {  	s10 =	sld [smem:$0x3FB8]  }
0x39: {  	_ = 	snop;
	(pc) =	sbr.ind lr, $3  }
0x3a: {  	_ = 	snop  }
0x3b: {  	_ = 	snop  }
0x3c: {  	p2 =	seq.s32 s10, $0x1;
	s10 =	sld [smem:$0x3FB7]  }
0x3d: {  	_ =	shalt  }
0x3e: {  	_ =	shalt  }
0x3f: {  	_ =	shalt  }
0x40: {  	_ =	shalt  }
0x41: {  	_ =	shalt  }
0x42: {  	_ =	shalt  }
0x43: {  	_ =	shalt  }
0x44: {  	_ =	shalt  }
0x45: {  	_ =	shalt  }
0x46: {  	_ =	shalt  }
0x47: {  	_ =	shalt  }
0x48: {  	_ =	shalt  }
0x49: {  	_ =	shalt  }
0x4a: {  	_ =	shalt  }
0x4b: {  	_ =	shalt  }
0x4c: {  	_ =	shalt  }
0x4d: {  	_ =	shalt  }
0x4e: {  	_ =	shalt  }
0x4f: {  	_ =	shalt  }
0x50: {  	_ =	shalt  }
0x51: {  	_ =	shalt  }
0x52: {  	_ =	shalt  }
0x53: {  	_ =	shalt  }
0x54: {  	_ =	shalt  }
0x55: {  	_ =	shalt  }
0x56: {  	_ =	shalt  }
0x57: {  	_ =	shalt  }
0x58: {  	_ =	shalt  }
0x59: {  	_ =	shalt  }
0x5a: {  	_ =	shalt  }
0x5b: {  	_ =	shalt  }
0x5c: {  	_ =	shalt  }
0x5d: {  	_ =	shalt  }
0x5e: {  	_ =	shalt  }
0x5f: {  	_ =	shalt  }
0x60: {  	_ =	shalt  }
0x61: {  	_ =	shalt  }
0x62: {  	_ =	shalt  }
0x63: {  	_ =	shalt  }
0x64: {  	_ =	shalt  }
0x65: {  	_ =	shalt  }
0x66: {  	_ =	shalt  }
0x67: {  	_ =	shalt  }
0x68: {  	_ =	shalt  }
0x69: {  	_ =	shalt  }
0x6a: {  	_ =	shalt  }
0x6b: {  	_ =	shalt  }
0x6c: {  	_ =	shalt  }
0x6d: {  	_ =	shalt  }
0x6e: {  	_ =	shalt  }
0x6f: {  	_ =	shalt  }
0x70: {  	_ =	shalt  }
0x71: {  	_ =	shalt  }
0x72: {  	_ =	shalt  }
0x73: {  	_ =	shalt  }
0x74: {  	_ =	shalt  }
0x75: {  	_ =	shalt  }
0x76: {  	_ =	shalt  }
0x77: {  	_ =	shalt  }
0x78: {  	_ =	shalt  }
0x79: {  	_ =	shalt  }
0x7a: {  	_ =	shalt  }
0x7b: {  	_ =	shalt  }
0x7c: {  	_ =	shalt  }
0x7d: {  	_ =	shalt  }
0x7e: {  	_ =	shalt  }
0x7f: {  	_ =	shalt  }
0x80: {  	_ =	shalt  }
0x81: {  	_ =	shalt  }
0x82: {  	_ =	shalt  }
0x83: {  	_ =	shalt  }
0x84: {  	_ =	shalt  }
0x85: {  	_ =	shalt  }
0x86: {  	_ =	shalt  }
0x87: {  	_ =	shalt  }
.Lfunc_end0:
.L_simem_size_0:
called_computation_lowered:
.L_overlay_start_0:
0x88: {  	s2 =	sld [smem:$0x3FD9]  }
0x89: {  	s3 =	sld [smem:$0x3FFE];
	_ =	sdelay $0x1  }
0x8a: {  	s1 =	srdreg.scid  }
0x8b: {  	s0 =	sand.u32 $0x1, s1  }
0x8c: {  	s14 =	sshll.u32 s0, $0xA;
	s2 =	sadd.s32 s3, s2  }
0x8d: {  	s2 =	sadd.s32 s2, s14  }
0x8e: {  	[smem:$0x3FC3] =	sst s2  }
0x8f: {  	_ = 	snop  }
0x90: {  	s2 =	sld [smem:$0x3FD0];
	_ =	sdelay $0x2  }
0x91: {  	s15 =	simm.s32 $0xA;
	s4 =	simm.s32 $0x10  }
0x92: {  	[smem:s4], [sflag:s15] =	dma.local [hbm:s2], $0x1  }
0x93: {  	_ =	swait.eq [sflag:s15], $0x1  }
0x94: {  	[sflag:s15] =	ssyncset.done $0x0  }
0x95: {  	s16 =	sld [smem:$0x10];
	[sflag:s15] =	ssyncadd.s32 $0xFFFFFFFF  }
0x96: {  	s17 =	sld [smem:$0x11];
	(tm) =	ssettm $0x1  }
0x97: {  	s18 =	sld [smem:$0x3FFB];
	_ =	sdelay $0x3  }
0x98: {  	_ =	strace s18  }
0x99: {  	s4 =	sld [smem:$0x3FFC];
	_ =	sdelay $0x3  }
0x9a: {  	_ =	strace s4  }
0x9b: {  	s4 =	sld [smem:$0x3FFD];
	_ =	sdelay $0x3  }
0x9c: {  	_ =	strace s4  }
0x9d: {  	_ =	strace $0x8FFFFFFF  }
0x9e: {  	s19 =	sld [smem:$0x3FDB];
	_ =	sdelay $0x1  }
0x9f: {  	s5 =	simm.s32 $_scs_section_size  }
0xa0: {  	s6 =	simm.s32 $_size__tile_overlayer_lowered;
	s7 =	simm.s32 $_tile_overlayer_lowered  }
0xa1: {  	s22 =	simm.s32 $0x1BFF;
	s21 =	sshll.u32 s7, $0x1;
	s4 =	sadd.s32 s5, s19  }
0xa2: {  	s8 =	simm.s32 $0x0;
	s20 =	sshll.u32 s6, $0x1;
	s6 =	sadd.s32 s21, s4  }
0xa3: {  	[timem:s8], [sflag:s22] =	dma.local [hbm:s6], s20  }
0xa4: {  	_ =	swait.ge [sflag:s22], s20  }
0xa5: {  	s5 =	ssub.s32 $0x0, s20;
	[sflag:s22] =	ssyncset.done $0x0  }
0xa6: {  	[sflag:s22] =	ssyncadd.s32 s5;
	_ =	sdelay $0x1  }
0xa7: {  	s23 =	simm.s32 $0x1B8B  }
0xa8: {  	_ =	swait.ge [sflag:s23], $0x1  }
0xa9: {  	[sflag:s23] =	ssyncset.done $0x0  }
0xaa: {  	s25 =	simm.s32 $0x1B8E;
	s24 =	sld [smem:$0x3FFE];
	[sflag:s23] =	ssyncadd.s32 $0xFFFFFFFF  }
0xab: {  	s26 =	simm.s32 $execute0_lowered;
	[smem:$0x3FD2] =	sst s25  }
0xac: {  	s6 =	sshll.u32 s26, $0x1;
	_ =	strace $0x80000046;
	[dreg:$0x1] =	wrdreg $0xFFFFFFFF  }
0xad: {  	s28 =	simm.s32 $_size_execute0_lowered;
	s4 =	sadd.s32 s4, s6;
	[dreg:$0x0] =	wrdreg $0x0  }
0xae: {  	s6 =	sshll.u32 s28, $0x1;
	[dreg:$0x2] =	wrdreg s4  }
0xaf: {  	[dreg:$0x3] =	wrdreg s6  }
0xb0: {  	[dreg:$0x4] =	wrdreg $0xC0  }
0xb1: {  	_ =	task [dreg:s8], $0x5FFFF  }
0xb2: {  	[dreg:$0x1] =	wrdreg $0xFFFFFFFF  }
0xb3: {  	[dreg:$0x0] =	wrdreg $0x60  }
0xb4: {  	[dreg:$0x2] =	wrdreg s24  }
0xb5: {  	[dreg:$0x3] =	wrdreg s16  }
0xb6: {  	[dreg:$0x4] =	wrdreg s17  }
0xb7: {  	[dreg:$0x5] =	wrdreg $0x9  }
0xb8: {  	_ =	task.clear_ibuf [dreg:s8], $0x6FFFF;
	_ =	strace $0x90000046  }
0xb9: {  	s29 =	simm.s32 $0x9;
	_ =	strace $0x80000048  }
0xba: {  	_ =	swait.ge [sflag:s29], $0x1  }
0xbb: {  	[sflag:s29] =	ssyncadd.s32 $0xFFFFFFFF  }
0xbc: {  	_ =	strace $0x90000048  }
0xbd: {  	_ =	sfence  }
0xbe: {  	s30 =	sld [smem:$0x0];
	_ =	sdelay $0x2  }
0xbf: {  	s31 =	sshll.u32 s1, $0xD;
	s1 =	sshrl.u32 s1, $0x2  }
0xc0: {  	s3 =	sand.u32 $0x4000, s31;
	s1 =	sadd.s32 s1, s30  }
0xc1: {  	s0 =	sor.u32 s3, s0;
	s1 =	sshll.u32 s1, $0x11  }
0xc2: {  	s0 =	sor.u32 s1, s0  }
0xc3: {  	s0 =	sadd.s32 $0x8F2B, s0  }
0xc4: {  	[sflag:s0] =	ssyncadd.remote.s32 $0x1  }
0xc5: {  	_ =	sfence.sel $0xFFFF  }
0xc6: {  	[dreg:$0x0] =	wrdreg $0xFFFFFFFF;
	(pc) =	sbr.abs _section_cstart, $3  }
0xc7: {  	[dreg:$0x1] =	wrdreg $0xFFFFFFFF  }
0xc8: {  	_ =	task.clear_ibuf [dreg:s8], $0x2FFFF;
	_ =	strace $0x9FFFFFFF  }
0xc9: {  	(tm) =	ssettm $0x7FFFFFFF  }
tec
execute0_lowered:
.L_overlay_start_1:
0x0: {  	(tag) =	ssettag $0x1  }
0x1: {  	v0 =	vlaneseq.u32  }
0x2: {  	v1 =	vimm.s32 $0xB80;
	vm0 =	vcmask $0x300;
	v2 =	vimm.s32 $0xE80  }
0x3: {  	vm1 =	vcmask $0x704;
	v1 =	vsel vm0, $0x0, v1;
	v2 =	vsel vm0, $0x0, v2  }
0x4: {  	vm15 =	vcmask $0xB08;
	v1 =	vsel vm1, $0x80, v1;
	v2 =	vsel vm1, $0x80, v2  }
0x5: {  	vm4 =	vcmask $0xF0C;
	v1 =	vsel vm15, $0x100, v1;
	v2 =	vsel vm15, $0x200, v2  }
0x6: {  	vm5 =	vcmask $0x1310;
	v1 =	vsel vm4, $0x180, v1;
	v2 =	vsel vm4, $0x280, v2  }
0x7: {  	vm6 =	vcmask $0x1714;
	s3 =	rddreg [dreg:$0x0];
	v1 =	vsel vm5, $0x200, v1;
	v2 =	vsel vm5, $0x400, v2  }
0x8: {  	s1 =	srdreg.scid;
	vm7 =	vcmask $0x1B18;
	s4 =	rddreg [dreg:$0x1];
	v1 =	vsel vm6, $0x280, v1;
	v2 =	vsel vm6, $0x480, v2  }
0x9: {  	s0 =	stileid.u32;
	vm8 =	vcmask $0x1F1C;
	s6 =	rddreg [dreg:$0x2];
	v1 =	vsel vm7, $0x300, v1;
	v2 =	vsel vm7, $0x600, v2  }
0xa: {  	vm9 =	vcmask $0x2320;
	s2 =	simm.s32 $0x0;
	s9 =	simm.s32 $0x9000;
	s10 =	simm.s32 $0x800;
	v1 =	vsel vm8, $0x380, v1;
	v2 =	vsel vm8, $0x680, v2  }
0xb: {  	vm10 =	vcmask $0x2724;
	s11 =	simm.s32 $0x10000;
	s12 =	simm.s32 $0x0;
	s5 =	sand.u32 $0x1, s1;
	v1 =	vsel vm9, $0x800, v1;
	v2 =	vsel vm9, $0x800, v2  }
0xc: {  	vm11 =	vcmask $0x2B28;
	s7 =	sshll.u32 s0, $0x9;
	s1 =	rddreg [dreg:$0x3];
	s8 =	sshll.u32 s5, $0x8;
	v1 =	vsel vm10, $0x880, v1;
	v2 =	vsel vm10, $0x880, v2  }
0xd: {  	vm12 =	vcmask $0x2F2C;
	[smem:$0x7FF] =	sst s2;
	s5 =	ssub.s32 $0x2, s5;
	s7 =	sor.u32 s8, s7;
	v1 =	vsel vm11, $0x900, v1;
	v2 =	vsel vm11, $0xA00, v2  }
0xe: {  	vm13 =	vcmask $0x3330;
	_ =	strace $0x80000047;
	s30 =	sshrl.u32 s5, $0x1;
	s8 =	sshll.u32 s7, $0x4;
	v1 =	vsel vm12, $0x980, v1;
	v2 =	vsel vm12, $0xA80, v2  }
0xf: {  	vm14 =	vcmask $0x3734;
	s31 =	sshrl.u32 s7, $0x2;
	s4 =	sadd.s32 s4, s7;
	s7 =	simm.s32 $0x1;
	v1 =	vsel vm13, $0xA00, v1;
	v2 =	vsel vm13, $0xC00, v2  }
0x10: {  	vm15 =	vcmask $0x3B38;
	s3 =	sadd.s32 s8, s3;
	s8 =	ssub.s32 s5, s30;
	s5 =	sadd.s32 s6, s31;
	v1 =	vsel vm14, $0xA80, v1;
	v3 =	vsel vm14, $0xC80, v2  }
0x11: {  	s3 =	sadd.s32 $0x1200, s3;
	s6 =	smax.u32 s8, $0x1;
	s8 =	simm.s32 $0x8000;
	v2 =	vimm.f32 $0.0e+00;
	v1 =	vsel vm15, $0xB00, v1;
	v3 =	vsel vm15, $0xE00, v3  }
.LBB2_1:
0x12: {  	[tilespmem:s2], [sflag:$0x1] =	stream.linear.gather [hbm4b:s3+s2], $0x8000, $0x38;
	[tilespmem:$0x9200] =	vst v63  }
0x13: {  	_ =	swait.ge [sflag:s7], $0x8000  }
0x14: {  	[sflag:s7] =	ssyncset.done $0x0  }
0x15: {  	s13 =	simm.s32 $0x100;
	[sflag:s7] =	ssyncadd.s32 $0xFFFF8000  }
0x16: {  	v4 =	vld [tilespmem:s13+$0xFFFFFF00]  }
0x17: {  	v5 =	vld [tilespmem:s13+$0xFFFFFF80]  }
0x18: {  	v6 =	vld [tilespmem:s13+$0x0];
	_ =	sdelay $0x2  }
0x19: {  	(xrf0) =	vmax.scan.msk.f32 $0xffff, v4  }
0x1a: {  	(xrf0) =	vmax.scan.msk.f32 $0xffff, v5  }
0x1b: {  	(xrf0) =	vmax.scan.msk.f32 $0xffff, v6;
	_ =	sdelay $0x3  }
0x1c: {  	v7, _, _ =	vpop (xrf0)  }
0x1d: {  	v7 =	vbroadcast v7, $0xF;
	v9, _, _ =	vpop (xrf0)  }
0x1e: {  	v8 =	vld [tilespmem:s13+$0x80];
	v9 =	vbroadcast v9, $0xF;
	v10, _, _ =	vpop (xrf0)  }
0x1f: {  	v4 =	vsub.f32 v4, v7;
	v7 =	vbroadcast v10, $0xF  }
0x20: {  	v5 =	vsub.f32 v5, v9  }
0x21: {  	v4 =	vmul.f32 $1.442695020e+00, v4;
	v6 =	vsub.f32 v6, v7  }
0x22: {  	v5 =	vmul.f32 $1.442695020e+00, v5  }
0x23: {  	(xrf0) =	vmax.scan.msk.f32 $0xffff, v8;
	v6 =	vmul.f32 $1.442695020e+00, v6;
	(erf) = vpow2.f32 v4  }
0x24: {  	(erf) = vpow2.f32 v5  }
0x25: {  	(erf) = vpow2.f32 v6;
	_ =	sdelay $0x3  }
0x26: {  	v4, _, _ =	vpop (xrf0)  }
0x27: {  	v4 =	vbroadcast v4, $0xF;
	_ =	sdelay $0x1  }
0x28: {  	v4 =	vsub.f32 v8, v4;
	v5 =	vpop (erf)  }
0x29: {  	(xrf2) =	vadd.scan.msk.f32 $0xffff, v5;
	v6 =	vpop (erf)  }
0x2a: {  	v4 =	vmul.f32 $1.442695020e+00, v4;
	v7 =	vpop (erf)  }
0x2b: {  	s22 =	simm.s32 $0x300;
	(xrf2) =	vadd.scan.msk.f32 $0xffff, v7  }
0x2c: {  	(erf) = vpow2.f32 v4;
	v4 =	vld [tilespmem:s22+$0xFFFFFF00]  }
0x2d: {  	v8 =	vld [tilespmem:s22+$0xFFFFFF80];
	_ =	sdelay $0x2  }
0x2e: {  	v9 =	vld [tilespmem:s22+$0x0]  }
0x2f: {  	v10 =	vld [tilespmem:s22+$0x80];
	(xrf0) =	vmax.scan.msk.f32 $0xffff, v4  }
0x30: {  	(xrf0) =	vmax.scan.msk.f32 $0xffff, v8  }
0x31: {  	v11, _, _ =	vpop (xrf2)  }
0x32: {  	v11 =	vbroadcast v11, $0xF  }
0x33: {  	(xrf0) =	vmax.scan.msk.f32 $0xffff, v9;
	v13, _, _ =	vpop (xrf2)  }
0x34: {  	(xrf0) =	vmax.scan.msk.f32 $0xffff, v10;
	v12 =	vpop (erf);
	(erf) = vrcp.f32 v11;
	v11 =	vbroadcast v13, $0xF  }
0x35: {  	(xrf2) =	vadd.scan.msk.f32 $0xffff, v12;
	v13, _, _ =	vpop (xrf0)  }
0x36: {  	(erf) = vrcp.f32 v11;
	v11 =	vbroadcast v13, $0xF;
	v13, _, _ =	vpop (xrf0)  }
0x37: {  	v13 =	vbroadcast v13, $0xF;
	_ =	sdelay $0x1  }
0x38: {  	(xrf2) =	vadd.scan.msk.f32 $0xffff, v6;
	v14, _, _ =	vpop (xrf0);
	v8 =	vsub.f32 v8, v13  }
0x39: {  	v4 =	vsub.f32 v4, v11;
	v11 =	vbroadcast v14, $0xF;
	v14, _, _ =	vpop (xrf0)  }
0x3a: {  	v13 =	vbroadcast v14, $0xF;
	v8 =	vmul.f32 $1.442695020e+00, v8  }
0x3b: {  	v4 =	vmul.f32 $1.442695020e+00, v4;
	v9 =	vsub.f32 v9, v11  }
0x3c: {  	v10 =	vsub.f32 v10, v13  }
0x3d: {  	v9 =	vmul.f32 $1.442695020e+00, v9;
	(erf) = vpow2.f32 v4  }
0x3e: {  	v4 =	vmul.f32 $1.442695020e+00, v10;
	(erf) = vpow2.f32 v8;
	v8, _, _ =	vpop (xrf2)  }
0x3f: {  	(erf) = vpow2.f32 v9;
	v8 =	vbroadcast v8, $0xF  }
0x40: {  	v11 =	vpop (erf);
	(erf) = vpow2.f32 v4  }
0x41: {  	s28 =	simm.s32 $0x500;
	v9 =	vpop (erf);
	(erf) = vrcp.f32 v8  }
0x42: {  	v24 =	vld [tilespmem:s28+$0xFFFFFF00];
	v4 =	vmul.f32 v9, v7;
	v7, _, _ =	vpop (xrf2)  }
0x43: {  	v7 =	vbroadcast v7, $0xF  }
0x44: {  	(xrf1) =	vsort.dscd.msk.f32 $0xffff, v4, v0  }
0x45: {  	v29 =	vld [tilespmem:s28+$0xFFFFFF80];
	(erf) = vrcp.f32 v7  }
0x46: {  	v5 =	vmul.f32 v11, v5;
	v15 =	vpop (erf)  }
0x47: {  	s15 =	simm.s32 $0x3;
	(xrf0) =	vmax.scan.msk.f32 $0xffff, v24;
	v7 =	vpop (erf)  }
0x48: {  	v32 =	vmov s2;
	v16 =	vmov s15;
	(xrf1) =	vsort.dscd.msk.f32 $0xffff, v5, v0;
	v18 =	vpop (erf)  }
0x49: {  	s23 =	simm.s32 $0x1;
	v42 =	vand.u32 $0x7C, v32;
	v21 =	vshrl.u32 v16, $0x7;
	(xrf2) =	vadd.scan.msk.f32 $0xffff, v15;
	v23 =	vpop (erf)  }
0x4a: {  	s14 =	simm.s32 $0x2;
	v16 =	vand.u32 $0x7F, v16;
	v26 =	vshll.u32 v21, $0x8;
	(xrf0) =	vmax.scan.msk.f32 $0xffff, v29;
	v4 =	vmov s23;
	v10 =	vpop (erf)  }
0x4b: {  	v14 =	vmov s14;
	v5 =	vshrl.u32 v4, $0x7;
	(xrf2) =	vadd.scan.msk.f32 $0xffff, v18;
	v12 =	vmul.f32 v10, v12  }
0x4c: {  	v32 =	vshrl.u32 v32, $0x7;
	v26 =	vor.u32 v16, v26;
	v20 =	vshrl.u32 v14, $0x7  }
0x4d: {  	v44, _, _ =	vpop (xrf0);
	v27 =	vand.u32 $0x7D, v4;
	v22 =	vshll.u32 v5, $0x8;
	(xrf1) =	vsort.dscd.msk.f32 $0xffff, v12, v0;
	v12 =	vshll.u32 v21, $0xA;
	v21 =	vld [tilespmem:s28+$0x0]  }
0x4e: {  	v34 =	vand.u32 $0x7E, v14;
	v25 =	vshll.u32 v5, $0xA;
	v30 =	vor.u32 v27, v22;
	v22 =	vld [tilespmem:s28+$0x80];
	v5 =	vpop (erf)  }
0x4f: {  	v28 =	vshll.u32 v20, $0xA;
	v54 =	vbroadcast v44, $0xF;
	v6 =	vmul.f32 v5, v6  }
0x50: {  	v39 =	vadd.s32 v3, v26;
	v20 =	vshll.u32 v20, $0x8;
	v43 =	vor.u32 v34, v28  }
0x51: {  	s24 =	simm.s32 $0x6;
	v45 =	vshll.u32 v32, $0xA;
	v20 =	vor.u32 v34, v20;
	v55, _, _ =	vpop (xrf0);
	v24 =	vsub.f32 v24, v54;
	(xrf1) =	vsort.dscd.msk.f32 $0xffff, v6, v0  }
0x52: {  	v53 =	vor.u32 v1, v43;
	v56 =	vadd.s32 v3, v20;
	v11 =	vmov s24;
	v33, v36, _ =	vpop (xrf1);
	(xrf0) =	vmax.scan.msk.f32 $0xffff, v21  }
0x53: {  	s26 =	simm.s32 $0x5;
	v20 =	vbroadcast v55, $0xF;
	v13 =	vshrl.u32 v11, $0x7;
	v24 =	vmul.f32 $1.442695020e+00, v24;
	v6, _, _ =	vpop (xrf2);
	(xrf0) =	vmax.scan.msk.f32 $0xffff, v22  }
0x54: {  	s25 =	simm.s32 $0x7;
	v9 =	vmov s26;
	v14 =	vshll.u32 v36, $0x8;
	(xrf2) =	vadd.scan.msk.f32 $0xffff, v23;
	v37 =	vbroadcast v6, $0xF  }
0x55: {  	v8 =	vmov s25;
	v35 =	vshll.u32 v36, $0x7;
	v14 =	vand.u32 $0xFFFFF800, v14;
	v52, _, _ =	vpop (xrf2)  }
0x56: {  	v35 =	vand.u32 $0x380, v35;
	(erf) = vrcp.f32 v37;
	v37 =	vbroadcast v52, $0xF  }
0x57: {  	v31 =	vor.u32 v27, v25;
	v38, v6, _ =	vpop (xrf1);
	v35 =	vor.u32 v14, v35;
	v14 =	vsub.f32 v29, v20  }
0x58: {  	v17 =	vshrl.u32 v9, $0x7;
	v31 =	vor.u32 v1, v31;
	(erf) = vrcp.f32 v37;
	v57, _, _ =	vpop (xrf0)  }
0x59: {  	v40 =	vor.u32 v16, v12;
	v26 =	vshll.u32 v6, $0x8;
	v14 =	vmul.f32 $1.442695020e+00, v14;
	v59, _, _ =	vpop (xrf0)  }
0x5a: {  	(xrf2) =	vadd.scan.msk.f32 $0xffff, v7;
	v41 =	vshll.u32 v6, $0x7;
	v58 =	vbroadcast v57, $0xF;
	v20 =	vbroadcast v59, $0xF  }
0x5b: {  	v40 =	vor.u32 v1, v40;
	v26 =	vand.u32 $0xFFFFF800, v26;
	v41 =	vand.u32 $0x380, v41  }
0x5c: {  	(erf) = vpow2.f32 v24;
	v29, v60, _ =	vpop (xrf1);
	v21 =	vsub.f32 v21, v58;
	v20 =	vsub.f32 v22, v20  }
0x5d: {  	v26 =	vor.u32 v26, v41;
	(erf) = vpow2.f32 v14;
	v61 =	vshll.u32 v60, $0x8  }
0x5e: {  	v14, _, _ =	vpop (xrf2);
	v22 =	vshll.u32 v60, $0x7;
	v21 =	vmul.f32 $1.442695020e+00, v21;
	v20 =	vmul.f32 $1.442695020e+00, v20  }
0x5f: {  	v14 =	vbroadcast v14, $0xF;
	v24 =	vand.u32 $0xFFFFF800, v61;
	v22 =	vand.u32 $0x380, v22;
	v62 =	vpop (erf)  }
0x60: {  	v15 =	vmul.f32 v62, v15;
	(erf) = vpow2.f32 v21;
	v21 =	vor.u32 v24, v22  }
0x61: {  	[tilespmem:v31+s8+$0x0] =	vst.idx.msk $0xffff, v2;
	v24 =	vor.u32 v42, v45;
	v46 =	vpop (erf);
	(erf) = vpow2.f32 v20;
	v16 =	vor.u32 v16, v21  }
0x62: {  	v18 =	vmul.f32 v46, v18;
	v31 =	vor.u32 v1, v24;
	v24 =	vor.u32 v42, v26  }
0x63: {  	(erf) = vrcp.f32 v14;
	v12 =	vor.u32 v12, v16;
	v16 =	vor.u32 v34, v35;
	v22, v20, _ =	vpop (xrf1)  }
0x64: {  	v63 =	vor.u32 v45, v24;
	v21, _, _ =	vpop (xrf2);
	(xrf1) =	vsort.dscd.msk.f32 $0xffff, v18, v0;
	v28 =	vor.u32 v28, v16;
	v18 =	vshll.u32 v20, $0x8  }
0x65: {  	v21 =	vbroadcast v21, $0xF;
	v16 =	vshll.u32 v20, $0x7;
	v18 =	vand.u32 $0xFFFFF800, v18  }
0x66: {  	[tilespmem:v53+s8+$0x0] =	vst.idx.msk $0xffff, v2;
	v19 =	vshll.u32 v17, $0x8;
	v17 =	vshll.u32 v17, $0xA;
	v16 =	vand.u32 $0x380, v16  }
0x67: {  	s29 =	simm.s32 $0xA;
	[tilespmem:v40+s8+$0x0] =	vst.idx.msk $0xffff, v2;
	(xrf1) =	vsort.dscd.msk.f32 $0xffff, v15, v0;
	(erf) = vrcp.f32 v21;
	v16 =	vor.u32 v18, v16  }
0x68: {  	v4 =	vmov s29;
	[tilespmem:v12+s8+$0x0] =	vst.idx.msk $0x3, v29;
	v12 =	vor.u32 v27, v16;
	v27 =	vshll.u32 v32, $0x8;
	v18 =	vpop (erf)  }
0x69: {  	s30 =	simm.s32 $0xB;
	s31 =	simm.s32 $0x9;
	v10 =	vshrl.u32 v8, $0x7;
	[tilespmem:v31+s8+$0x0] =	vst.idx.msk $0xffff, v2;
	v34 =	vor.u32 v25, v12;
	v25 =	vor.u32 v42, v27;
	v26 =	vpop (erf)  }
0x6a: {  	v5 =	vmov s30;
	v24 =	vmov s31;
	[tilespmem:v63+s8+$0x0] =	vst.idx.msk $0x3, v38;
	(xrf2) =	vadd.scan.msk.f32 $0xffff, v18;
	v21 =	vpop (erf)  }
0x6b: {  	v14 =	vshrl.u32 v4, $0x7;
	v15 =	vshrl.u32 v5, $0x7;
	[tilespmem:v39+s9+$0x0] =	vst.idx.msk $0x3, v60;
	v16 =	vshrl.u32 v24, $0x7;
	v35 =	vpop (erf)  }
0x6c: {  	s17 =	simm.s32 $0xC;
	[tilespmem:v28+s8+$0x0] =	vst.idx.msk $0x3, v33;
	v32 =	vadd.s32 v3, v30;
	v12 =	vshll.u32 v16, $0x8;
	v27 =	vadd.s32 v3, v25;
	v25 =	vpop (erf)  }
0x6d: {  	s15 =	simm.s32 $0x700;
	s13 =	simm.s32 $0x8;
	s14 =	simm.s32 $0x4;
	[tilespmem:v56+s9+$0x0] =	vst.idx.msk $0x3, v36;
	v36 =	vshll.u32 v10, $0x8;
	(xrf2) =	vadd.scan.msk.f32 $0xffff, v21;
	v30 =	vmul.f32 v25, v23  }
.LBB2_2:
0x6e: {  	s18 =	sadd.s32 $0x2, s17;
	v28 =	vand.u32 $0x7D, v9  }
0x6f: {  	v37 =	vld [tilespmem:s15+$0xFFFFFF00];
	s19 =	sadd.s32 $0x3, s17;
	v29 =	vshll.u32 v13, $0xA;
	v33 =	vshll.u32 v10, $0xA;
	[tilespmem:v34+s8+$0x0] =	vst.idx.msk $0x3, v22;
	v10 =	vmovc v15;
	v9 =	vmovc v24;
	v23 =	vmov v35;
	s20 =	smov.u32 s17;
	s16 =	sadd.s32 $0x4, s17  }
0x70: {  	p0 =	slt.u32 s17, $0xFC;
	v22 =	vld [tilespmem:s15+$0xFFFFFF80];
	v24 =	vmov s18;
	v34 =	vmov s19;
	v25 =	vor.u32 v28, v19;
	v19 =	vpop (erf);
	(xrf1) =	vsort.dscd.msk.f32 $0xffff, v30, v0  }
0x71: {  	v35 =	vld [tilespmem:s15+$0x0];
	v38 =	vshrl.u32 v24, $0x7;
	v15 =	vshrl.u32 v34, $0x7;
	v19 =	vmul.f32 v19, v7;
	[tilespmem:v32+s9+$0x0] =	vst.idx.msk $0x3, v20;
	v7 =	vmovc v26  }
0x72: {  	v13 =	vshll.u32 v13, $0x8;
	v39 =	vand.u32 $0x7F, v8;
	v8 =	vmovc v5;
	v26 =	vor.u32 v28, v17;
	v20 =	vld [tilespmem:s15+$0x80];
	[tilespmem:v27+s9+$0x0] =	vst.idx.msk $0x3, v6  }
0x73: {  	v40 =	vand.u32 $0x7E, v11;
	v27 =	vmov s14;
	v26 =	vor.u32 v1, v26;
	s14 =	smov.u32 s13;
	s13 =	smov.u32 s20;
	(xrf1) =	vsort.dscd.msk.f32 $0xffff, v19, v0;
	v32, v30, _ =	vpop (xrf1)  }
0x74: {  	v19 =	vor.u32 v39, v36;
	(xrf0) =	vmax.scan.msk.f32 $0xffff, v37;
	v5, _, _ =	vpop (xrf2);
	v42 =	vshll.u32 v30, $0x8;
	v44 =	vshll.u32 v30, $0x7  }
0x75: {  	v41 =	vadd.s32 v3, v19;
	(xrf0) =	vmax.scan.msk.f32 $0xffff, v22;
	v5 =	vbroadcast v5, $0xF;
	v36 =	vand.u32 $0xFFFFF800, v42;
	v31, v6, _ =	vpop (xrf1)  }
0x76: {  	v11 =	vmovc v4;
	v43 =	vor.u32 v39, v33;
	v42 =	vand.u32 $0x380, v44;
	(xrf0) =	vmax.scan.msk.f32 $0xffff, v35;
	v19 =	vshll.u32 v6, $0x8  }
0x77: {  	v43 =	vor.u32 v1, v43;
	(xrf0) =	vmax.scan.msk.f32 $0xffff, v20;
	(erf) = vrcp.f32 v5;
	v4, _, _ =	vpop (xrf2);
	v19 =	vand.u32 $0xFFFFF800, v19  }
0x78: {  	v45 =	vand.u32 $0x7C, v27;
	v48 =	vshll.u32 v6, $0x7;
	v49 =	vbroadcast v4, $0xF;
	(xrf2) =	vadd.scan.msk.f32 $0xffff, v23;
	v4 =	vmovc v24  }
0x79: {  	v46 =	vor.u32 v40, v29;
	v47 =	vor.u32 v40, v13;
	v13 =	vmovc v14;
	v24 =	vand.u32 $0x380, v48;
	v5 =	vmovc v34  }
0x7a: {  	v27 =	vshrl.u32 v27, $0x7;
	v34 =	vor.u32 v1, v46;
	v14, _, _ =	vpop (xrf0);
	(erf) = vrcp.f32 v49  }
0x7b: {  	v24 =	vor.u32 v19, v24;
	v46 =	vadd.s32 v3, v47;
	v14 =	vbroadcast v14, $0xF;
	v44, _, _ =	vpop (xrf0);
	(xrf2) =	vadd.scan.msk.f32 $0xffff, v7  }
0x7c: {  	v36 =	vor.u32 v36, v42;
	v47 =	vshll.u32 v27, $0xA;
	v19 =	vbroadcast v44, $0xF;
	v44, _, _ =	vpop (xrf0)  }
0x7d: {  	v49 =	vsub.f32 v37, v14;
	v37 =	vbroadcast v44, $0xF;
	v48, _, _ =	vpop (xrf0);
	v44 =	vor.u32 v45, v47  }
0x7e: {  	v36 =	vor.u32 v40, v36;
	v19 =	vsub.f32 v22, v19;
	v50 =	vbroadcast v48, $0xF;
	v40, v42, _ =	vpop (xrf1)  }
0x7f: {  	v48 =	vmul.f32 $1.442695020e+00, v49;
	v35 =	vsub.f32 v35, v37;
	[tilespmem:v34+s8+$0x0] =	vst.idx.msk $0xffff, v2;
	v34 =	vshll.u32 v42, $0x8;
	v14 =	vmovc v38  }
0x80: {  	v49 =	vshll.u32 v42, $0x7;
	v51 =	vmul.f32 $1.442695020e+00, v19;
	v37 =	vsub.f32 v20, v50;
	v38 =	vpop (erf)  }
0x81: {  	v34 =	vand.u32 $0xFFFFF800, v34;
	v35 =	vmul.f32 $1.442695020e+00, v35;
	(erf) = vpow2.f32 v48;
	v22, v20, _ =	vpop (xrf1)  }
0x82: {  	v48 =	vand.u32 $0x380, v49;
	v37 =	vmul.f32 $1.442695020e+00, v37;
	(erf) = vpow2.f32 v51;
	v19, _, _ =	vpop (xrf2)  }
0x83: {  	v34 =	vor.u32 v34, v48;
	(erf) = vpow2.f32 v35;
	v35 =	vbroadcast v19, $0xF;
	v19 =	vpop (erf)  }
0x84: {  	v34 =	vor.u32 v39, v34;
	(erf) = vpow2.f32 v37;
	v21 =	vmul.f32 v19, v21;
	v19 =	vmovc v12  }
0x85: {  	v12 =	vmul.f32 v38, v18;
	v33 =	vor.u32 v33, v34;
	v18, _, _ =	vpop (xrf2);
	(erf) = vrcp.f32 v35  }
0x86: {  	v34 =	vshll.u32 v20, $0x7;
	v18 =	vbroadcast v18, $0xF;
	(xrf1) =	vsort.dscd.msk.f32 $0xffff, v21, v0;
	v21 =	vshll.u32 v20, $0x8  }
0x87: {  	v29 =	vor.u32 v29, v36;
	[tilespmem:v26+s8+$0x0] =	vst.idx.msk $0xffff, v2;
	v21 =	vand.u32 $0xFFFFF800, v21;
	v26 =	vand.u32 $0x380, v34  }
0x88: {  	v36 =	vor.u32 v1, v44;
	(xrf1) =	vsort.dscd.msk.f32 $0xffff, v12, v0;
	(erf) = vrcp.f32 v18;
	v12 =	vor.u32 v21, v26  }
0x89: {  	s17 =	sadd.s32 $0x1, s13;
	v27 =	vshll.u32 v27, $0x8;
	v21 =	vor.u32 v45, v24;
	v12 =	vor.u32 v28, v12;
	[tilespmem:v43+s8+$0x0] =	vst.idx.msk $0xffff, v2  }
0x8a: {  	v24 =	vmov s17;
	v28 =	vor.u32 v47, v21;
	v18 =	vpop (erf);
	v34 =	vor.u32 v17, v12;
	[tilespmem:v33+s8+$0x0] =	vst.idx.msk $0x3, v40  }
.Ltmp0:
0x8b: {  	v33 =	vshrl.u32 v24, $0x7;
	v17 =	vor.u32 v45, v27;
	(xrf2) =	vadd.scan.msk.f32 $0xffff, v18;
	v26 =	vpop (erf);
	[tilespmem:v41+s9+$0x0] =	vst.idx.msk $0x3, v42;
	(pc) =	sbr.rel @p0 .LBB2_2-.Ltmp0, $4  }
0x8c: {  	v12 =	vshll.u32 v33, $0x8;
	v27 =	vadd.s32 v3, v17;
	v21 =	vpop (erf);
	[tilespmem:v29+s8+$0x0] =	vst.idx.msk $0x3, v32  }
0x8d: {  	v32 =	vadd.s32 v3, v25;
	v35 =	vpop (erf);
	[tilespmem:v46+s9+$0x0] =	vst.idx.msk $0x3, v30  }
0x8e: {  	(xrf2) =	vadd.scan.msk.f32 $0xffff, v21;
	v25 =	vpop (erf);
	[tilespmem:v36+s8+$0x0] =	vst.idx.msk $0xffff, v2  }
0x8f: {  	s15 =	sadd.s32 $0x200, s15;
	s17 =	smov.u32 s16;
	v17 =	vshll.u32 v16, $0xA;
	v16 =	vmovc v33;
	v36 =	vshll.u32 v10, $0x8;
	v30 =	vmul.f32 v25, v23;
	[tilespmem:v28+s8+$0x0] =	vst.idx.msk $0x3, v31  }
0x90: {  	_ = 	snop  }
0x91: {  	(xrf2) =	vadd.scan.msk.f32 $0xffff, v35;
	_ =	sdelay $0x4  }
0x92: {  	v23, _, _ =	vpop (xrf2);
	(xrf2) =	vadd.scan.msk.f32 $0xffff, v26;
	_ =	sdelay $0x1  }
0x93: {  	v23 =	vbroadcast v23, $0xF;
	v25, _, _ =	vpop (xrf2)  }
0x94: {  	v25 =	vbroadcast v25, $0xF  }
0x95: {  	v9 =	vand.u32 $0x7D, v9;
	v28 =	vpop (erf);
	(erf) = vrcp.f32 v23  }
0x96: {  	v51 =	vshll.u32 v13, $0xA;
	v10 =	vshll.u32 v10, $0xA;
	(xrf1) =	vsort.dscd.msk.f32 $0xffff, v30, v0;
	v50, _, _ =	vpop (xrf2);
	(erf) = vrcp.f32 v25  }
0x97: {  	v54 =	vshll.u32 v13, $0x8;
	v8 =	vand.u32 $0x7F, v8;
	v52 =	vbroadcast v50, $0xF  }
0x98: {  	v55 =	vmov s14;
	v11 =	vand.u32 $0x7E, v11;
	v16 =	vshll.u32 v16, $0xA  }
0x99: {  	v5 =	vand.u32 $0x7F, v5;
	v4 =	vand.u32 $0x7E, v4;
	(erf) = vrcp.f32 v52  }
0x9a: {  	v19 =	vor.u32 v9, v19;
	v53 =	vor.u32 v9, v17;
	v7 =	vmul.f32 v28, v7  }
0x9b: {  	[tilespmem:v34+s8+$0x0] =	vst.idx.msk $0x3, v22;
	v33 =	vor.u32 v8, v36;
	v41 =	vor.u32 v8, v10;
	v42 =	vand.u32 $0x7C, v55;
	v39, _, _ =	vpop (xrf2)  }
0x9c: {  	v57 =	vor.u32 v11, v51;
	v13 =	vor.u32 v11, v54;
	(xrf1) =	vsort.dscd.msk.f32 $0xffff, v7, v0;
	v29, v30, _ =	vpop (xrf1);
	v39 =	vbroadcast v39, $0xF  }
0x9d: {  	[tilespmem:v32+s9+$0x0] =	vst.idx.msk $0x3, v20;
	v20 =	vshll.u32 v14, $0xA;
	v33 =	vadd.s32 v3, v33;
	v41 =	vor.u32 v1, v41;
	v36, v37, _ =	vpop (xrf1)  }
0x9e: {  	v28 =	vshrl.u32 v55, $0x7;
	v13 =	vadd.s32 v3, v13;
	v40 =	vpop (erf);
	(erf) = vrcp.f32 v39  }
0x9f: {  	v58 =	vshll.u32 v28, $0xA;
	v54 =	vshll.u32 v28, $0x8;
	v43 =	vshll.u32 v37, $0x7;
	v44 =	vpop (erf)  }
0xa0: {  	v7 =	vor.u32 v1, v53;
	v43 =	vand.u32 $0x380, v43;
	v21 =	vmul.f32 v44, v21  }
0xa1: {  	v62 =	vor.u32 v42, v58;
	v31 =	vshll.u32 v30, $0x7;
	v18 =	vmul.f32 v40, v18  }
0xa2: {  	v56 =	vshll.u32 v30, $0x8;
	v31 =	vand.u32 $0x380, v31;
	v38 =	vshll.u32 v37, $0x8;
	v59 =	vpop (erf);
	(xrf1) =	vsort.dscd.msk.f32 $0xffff, v21, v0  }
0xa3: {  	v23 =	vand.u32 $0xFFFFF800, v56;
	v38 =	vand.u32 $0xFFFFF800, v38;
	(xrf1) =	vsort.dscd.msk.f32 $0xffff, v18, v0;
	v18 =	vmul.f32 v59, v35  }
0xa4: {  	v56 =	vor.u32 v42, v54;
	v38 =	vor.u32 v38, v43;
	v23 =	vor.u32 v23, v31;
	v40, v43, _ =	vpop (xrf1)  }
0xa5: {  	v11 =	vor.u32 v11, v23;
	v53 =	vor.u32 v42, v38;
	v61 =	vshll.u32 v43, $0x7;
	(xrf1) =	vsort.dscd.msk.f32 $0xffff, v18, v0  }
0xa6: {  	v11 =	vor.u32 v51, v11;
	v60 =	vshll.u32 v43, $0x8;
	v44 =	vand.u32 $0x380, v61  }
0xa7: {  	[tilespmem:v27+s9+$0x0] =	vst.idx.msk $0x3, v6;
	v51 =	vor.u32 v1, v62;
	v55 =	vor.u32 v58, v53;
	v31 =	vand.u32 $0xFFFFF800, v60;
	v52 =	vpop (erf)  }
0xa8: {  	[tilespmem:v41+s8+$0x0] =	vst.idx.msk $0xffff, v2;
	v58 =	vadd.s32 v3, v19;
	v62 =	vshll.u32 v14, $0x8;
	v18 =	vmul.f32 v52, v26  }
0xa9: {  	v14 =	vor.u32 v4, v62;
	v39 =	vor.u32 v1, v57;
	v57 =	vadd.s32 v3, v56  }
0xaa: {  	v19 =	vand.u32 $0x7D, v24;
	v56 =	vadd.s32 v3, v14;
	v63 =	vor.u32 v31, v44;
	v31, v44, _ =	vpop (xrf1);
	(xrf1) =	vsort.dscd.msk.f32 $0xffff, v18, v0  }
0xab: {  	[tilespmem:v7+s8+$0x0] =	vst.idx.msk $0xffff, v2;
	v60 =	vshll.u32 v15, $0xA;
	v61 =	vor.u32 v19, v16;
	v8 =	vor.u32 v8, v63  }
0xac: {  	[tilespmem:v51+s8+$0x0] =	vst.idx.msk $0xffff, v2;
	v7 =	vor.u32 v1, v61;
	v63 =	vmov s13;
	v8 =	vor.u32 v10, v8  }
0xad: {  	[tilespmem:v55+s8+$0x0] =	vst.idx.msk $0x3, v36;
	v59 =	vshll.u32 v15, $0x8;
	v47 =	vshll.u32 v44, $0x8;
	v48 =	vshll.u32 v44, $0x7  }
0xae: {  	[tilespmem:v39+s8+$0x0] =	vst.idx.msk $0xffff, v2;
	v54 =	vshrl.u32 v63, $0x7;
	v49 =	vand.u32 $0xFFFFF800, v47;
	v50 =	vand.u32 $0x380, v48  }
0xaf: {  	[tilespmem:v57+s9+$0x0] =	vst.idx.msk $0x3, v37;
	v42 =	vand.u32 $0x7C, v63;
	v55 =	vshll.u32 v54, $0xA;
	v10 =	vor.u32 v49, v50  }
0xb0: {  	v57 =	vor.u32 v42, v55;
	v47 =	vor.u32 v4, v20;
	v9 =	vor.u32 v9, v10  }
0xb1: {  	v14 =	vor.u32 v1, v57;
	v50 =	vor.u32 v1, v47;
	v9 =	vor.u32 v17, v9;
	v23, v24, _ =	vpop (xrf1)  }
0xb2: {  	[tilespmem:v8+s8+$0x0] =	vst.idx.msk $0x3, v40;
	v40 =	vor.u32 v5, v60;
	v18 =	vor.u32 v5, v59;
	v34 =	vshll.u32 v24, $0x8;
	v26, v27, _ =	vpop (xrf1)  }
0xb3: {  	[tilespmem:v11+s8+$0x0] =	vst.idx.msk $0x3, v29;
	v41 =	vor.u32 v1, v40;
	v35 =	vshll.u32 v24, $0x7;
	v8 =	vand.u32 $0xFFFFF800, v34;
	v46, v45, _ =	vpop (xrf1)  }
0xb4: {  	[tilespmem:v13+s9+$0x0] =	vst.idx.msk $0x3, v30;
	v38 =	vshll.u32 v27, $0x8;
	v48 =	vshll.u32 v45, $0x8;
	v49 =	vshll.u32 v45, $0x7  }
0xb5: {  	[tilespmem:v33+s9+$0x0] =	vst.idx.msk $0x3, v43;
	v39 =	vand.u32 $0x380, v35;
	v51 =	vand.u32 $0xFFFFF800, v48;
	v52 =	vand.u32 $0x380, v49  }
0xb6: {  	[tilespmem:v9+s8+$0x0] =	vst.idx.msk $0x3, v31;
	v43 =	vshll.u32 v27, $0x7;
	v28 =	vand.u32 $0xFFFFF800, v38;
	v22 =	vor.u32 v51, v52  }
0xb7: {  	[tilespmem:v58+s9+$0x0] =	vst.idx.msk $0x3, v44;
	v53 =	vand.u32 $0x380, v43;
	v8 =	vor.u32 v8, v39;
	v5 =	vor.u32 v5, v22  }
0xb8: {  	v9 =	vor.u32 v28, v53;
	v4 =	vor.u32 v4, v8;
	v59, v58, _ =	vpop (xrf1);
	v5 =	vor.u32 v60, v5  }
0xb9: {  	[tilespmem:v7+s8+$0x0] =	vst.idx.msk $0xffff, v2;
	v4 =	vor.u32 v20, v4;
	v60 =	vshll.u32 v58, $0x8;
	v61 =	vshll.u32 v58, $0x7  }
0xba: {  	[tilespmem:v14+s8+$0x0] =	vst.idx.msk $0xffff, v2;
	v9 =	vor.u32 v42, v9;
	v62 =	vand.u32 $0xFFFFF800, v60;
	v63 =	vand.u32 $0x380, v61  }
0xbb: {  	[tilespmem:v50+s8+$0x0] =	vst.idx.msk $0xffff, v2;
	v9 =	vor.u32 v55, v9;
	v7 =	vor.u32 v62, v63  }
0xbc: {  	v18 =	vadd.s32 v3, v18;
	[tilespmem:v41+s8+$0x0] =	vst.idx.msk $0xffff, v2;
	v7 =	vor.u32 v19, v7  }
0xbd: {  	v6 =	vshll.u32 v54, $0x8;
	v7 =	vor.u32 v16, v7;
	[tilespmem:v5+s8+$0x0] =	vst.idx.msk $0x3, v46;
	v5 =	vor.u32 v19, v12  }
0xbe: {  	v6 =	vor.u32 v42, v6;
	[tilespmem:v4+s8+$0x0] =	vst.idx.msk $0x3, v23;
	v4 =	vadd.s32 v3, v5  }
0xbf: {  	[tilespmem:v56+s9+$0x0] =	vst.idx.msk $0x3, v24;
	v5 =	vadd.s32 v3, v6  }
0xc0: {  	[tilespmem:v9+s8+$0x0] =	vst.idx.msk $0x3, v26  }
0xc1: {  	[tilespmem:v18+s9+$0x0] =	vst.idx.msk $0x3, v45  }
0xc2: {  	[tilespmem:v7+s8+$0x0] =	vst.idx.msk $0x3, v59  }
0xc3: {  	[tilespmem:v4+s9+$0x0] =	vst.idx.msk $0x3, v58  }
0xc4: {  	[tilespmem:v5+s9+$0x0] =	vst.idx.msk $0x3, v27  }
0xc5: {  	[hbm4b:s4+s10] =	stream.strided.scatter [tilespmem:s8], [sflag:$0x1], $0x1000, s11, s10, $0x38;
	[tilespmem:$0x9200] =	vst v63  }
0xc6: {  	s12 =	sadd.s32 $0x1, s12;
	_ =	swait.ge [sflag:s7], $0x1000  }
0xc7: {  	p0 =	sne.s32 s12, s6;
	[sflag:s7] =	ssyncset.done $0x0  }
.Ltmp1:
0xc8: {  	[sflag:s7] =	ssyncadd.s32 $0xFFFFF000;
	(pc) =	sbr.rel @p0 .LBB2_1-.Ltmp1, $4  }
0xc9: {  	[hbm4b:s5+s2] =	stream.linear.scatter [tilespmem:s9], [sflag:$0x1], $0x200, $0x38;
	[tilespmem:$0x9200] =	vst v63  }
0xca: {  	_ =	swait.ge [sflag:s7], $0x200  }
0xcb: {  	[sflag:s7] =	ssyncset.done $0x0  }
0xcc: {  	[sflag:s7] =	ssyncadd.s32 $0xFFFFFE00  }
0xcd: {  	_ =	sfence.sel $0x180000  }
0xce: {  	[bflag:$0x0] =	sbarrier.arrive $0xFFFF  }
0xcf: {  	p0 =	sne.s32 s0, $0x0;
	_ =	strace $0x90000047  }
0xd0: {  	s0 =	sadd.s32 @!p0 $0x100000, s1;
	[bflag:$0x2] =	sbarrier.arrive $0xFFFF  }
0xd1: {  	[sflag:s0] =	ssyncadd.tile.s32 @!p0 $0x1;
	_ =	shalt  }
.Lfunc_end2:
_tile_overlayer_lowered:
.L_overlay_start_2:
0xd2: {  	(tag) =	ssettag $0x2  }
0xd3: {  	s0 =	rddreg [dreg:$0x0];
	s2 =	stileid.u32  }
0xd4: {  	s1 =	rddreg [dreg:$0x1];
	p0 =	sne.s32 s2, $0x0  }
0xd5: {  	s3 =	rddreg [dreg:$0x2];
	[bflag:$0x3] =	sbarrier.arrive $0xFFFF;
	s2 =	simm.s32 @!p0 $0x1C01  }
0xd6: {  	[timem:s3], [sflag:s2] =	dma.local @!p0 [hbm:s0], s1  }
0xd7: {  	s0 =	simm.s32 @!p0 $0x1  }
0xd8: {  	_ =	swait.ge @!p0 [sflag:s0], s1  }
0xd9: {  	s1 =	ssub.s32 @!p0 $0x0, s1;
	[sflag:s0] =	ssyncset.done @!p0 $0x0  }
0xda: {  	[sflag:s0] =	ssyncadd.s32 @!p0 s1  }
0xdb: {  	[bflag:$0x3] =	sbarrier.arrive $0xFFFF  }
0xdc: {  	_ =	shalt  }

</sc_bundles>
